<compile_context>
chip_gen: v7x
topology: tpu7x:2x2x1
jax: 0.10.2.dev20260603
libtpu: 0.0.44.dev20260713+nightly
codegen_flags: <defaults>
</compile_context>

<pallas_src>
import functools

import jax
import jax.numpy as jnp
from jax import lax
from jax.experimental import pallas as pl
from jax.experimental.pallas import tpu as pltpu
from jax.experimental.pallas import tpu_sc as plsc

_B = 16384
_D = 32


def _sc_gather(user, movie, gmf_user, gmf_movie, mlp_user, mlp_movie):
    info = plsc.get_sparse_core_info()
    nw = info.num_cores * info.num_subcores
    bpw = _B // nw
    mesh = plsc.VectorSubcoreMesh(core_axis_name="c", subcore_axis_name="s")

    @functools.partial(
        pl.kernel,
        mesh=mesh,
        compiler_params=pltpu.CompilerParams(use_tc_tiling_on_sc=False),
        out_type=[jax.ShapeDtypeStruct((_B, _D), jnp.float32)] * 4,
        scratch_types=[
            pltpu.VMEM((bpw,), jnp.int32),
            pltpu.VMEM((bpw,), jnp.int32),
            pltpu.VMEM((bpw, _D), jnp.float32),
            pltpu.VMEM((bpw, _D), jnp.float32),
            pltpu.VMEM((bpw, _D), jnp.float32),
            pltpu.VMEM((bpw, _D), jnp.float32),
            pltpu.SemaphoreType.DMA,
        ],
    )
    def k(user_h, movie_h, gu_h, gm_h, mu_h, mm_h,
          gu_o, gm_o, mu_o, mm_o,
          uidx, midx, gu_v, gm_v, mu_v, mm_v, sem):
        wid = lax.axis_index("s") * info.num_cores + lax.axis_index("c")
        base = wid * bpw
        pltpu.sync_copy(user_h.at[pl.ds(base, bpw)], uidx)
        pltpu.sync_copy(movie_h.at[pl.ds(base, bpw)], midx)
        c1 = pltpu.async_copy(gu_h.at[uidx], gu_v, sem)
        c2 = pltpu.async_copy(gm_h.at[midx], gm_v, sem)
        c3 = pltpu.async_copy(mu_h.at[uidx], mu_v, sem)
        c4 = pltpu.async_copy(mm_h.at[midx], mm_v, sem)
        c1.wait()
        c2.wait()
        c3.wait()
        c4.wait()
        pltpu.sync_copy(gu_v, gu_o.at[pl.ds(base, bpw)])
        pltpu.sync_copy(gm_v, gm_o.at[pl.ds(base, bpw)])
        pltpu.sync_copy(mu_v, mu_o.at[pl.ds(base, bpw)])
        pltpu.sync_copy(mm_v, mm_o.at[pl.ds(base, bpw)])

    return k(user, movie, gmf_user, gmf_movie, mlp_user, mlp_movie)


def _mlp_body(gu_r, gm_r, mu_r, mm_r, w1_r, b1_r, w2_r, b2_r, w3_r, b3_r,
              wo_r, bo_r, out_r):
    f32 = jnp.float32
    w1 = w1_r[...]
    h = (lax.dot_general(mu_r[...], w1[:, :_D], (((1,), (1,)), ((), ())),
                         preferred_element_type=f32)
         + lax.dot_general(mm_r[...], w1[:, _D:], (((1,), (1,)), ((), ())),
                           preferred_element_type=f32)
         + b1_r[...])
    h = jnp.maximum(h, 0.0)
    h = lax.dot_general(h, w2_r[...], (((1,), (1,)), ((), ())),
                        preferred_element_type=f32) + b2_r[...]
    h = jnp.maximum(h, 0.0)
    h = lax.dot_general(h, w3_r[...], (((1,), (1,)), ((), ())),
                        preferred_element_type=f32) + b3_r[...]
    h = jnp.maximum(h, 0.0)
    gmf = gu_r[...] * gm_r[...]
    wo = wo_r[...]
    out = (jnp.sum(gmf * wo[:, :_D], axis=1)
           + jnp.sum(h * wo[:, _D:], axis=1)
           + bo_r[0, 0])
    out_r[...] = out


def _tc_mlp(gu, gm, mu, mm, W1, b1, W2, b2, W3, b3, Wo, bo):
    blk = 2048
    grid = _B // blk
    row_spec = pl.BlockSpec((blk, _D), lambda i: (i, 0))

    def full(shape):
        return pl.BlockSpec(shape, lambda i: (0,) * len(shape))

    return pl.pallas_call(
        _mlp_body,
        grid=(grid,),
        in_specs=[
            row_spec, row_spec, row_spec, row_spec,
            full(W1.shape), full((1, 128)),
            full(W2.shape), full((1, 64)),
            full(W3.shape), full((1, 32)),
            full(Wo.shape), full((1, 1)),
        ],
        out_specs=pl.BlockSpec((blk,), lambda i: (i,)),
        out_shape=jax.ShapeDtypeStruct((_B,), jnp.float32),
    )(gu, gm, mu, mm, W1, b1.reshape(1, 128), W2, b2.reshape(1, 64),
      W3, b3.reshape(1, 32), Wo, bo.reshape(1, 1))


def kernel(user, movie, gmf_user, gmf_movie, mlp_user, mlp_movie,
           W1, b1, W2, b2, W3, b3, Wo, bo):
    user = user.astype(jnp.int32)
    movie = movie.astype(jnp.int32)
    gu, gm, mu, mm = _sc_gather(user, movie, gmf_user, gmf_movie,
                                mlp_user, mlp_movie)
    return _tc_mlp(gu, gm, mu, mm, W1, b1, W2, b2, W3, b3, Wo, bo)

# --- scband reference (transcript-rebuilt; emitter-appended) ---
"""Pipeline reference for scband-neu-mf-56229711839292 (READ-ONLY COPY).

The authoritative reference and input builder live on the scoring server;
editing this copy changes nothing except your own understanding.
"""

import jax, jax.numpy as jnp
import numpy as np

B = 16384
U = 1000000
M = 100000
D = 32


def setup_inputs(seed: int = 0) -> dict:
    key = jax.random.key(seed)
    ks = jax.random.split(key, 16)
    s = 0.05
    user = jax.random.randint(ks[0], (B,), 0, U)
    movie = jax.random.randint(ks[1], (B,), 0, M)
    gmf_user = jax.random.normal(ks[2], (U + 1, D), dtype=jnp.float32) * s
    gmf_movie = jax.random.normal(ks[3], (M + 1, D), dtype=jnp.float32) * s
    mlp_user = jax.random.normal(ks[4], (U + 1, D), dtype=jnp.float32) * s
    mlp_movie = jax.random.normal(ks[5], (M + 1, D), dtype=jnp.float32) * s
    W1 = jax.random.normal(ks[6], (128, 2 * D), dtype=jnp.float32) * s
    b1 = jnp.zeros((128,), dtype=jnp.float32)
    W2 = jax.random.normal(ks[7], (64, 128), dtype=jnp.float32) * s
    b2 = jnp.zeros((64,), dtype=jnp.float32)
    W3 = jax.random.normal(ks[8], (32, 64), dtype=jnp.float32) * s
    b3 = jnp.zeros((32,), dtype=jnp.float32)
    Wo = jax.random.normal(ks[9], (1, D + 32), dtype=jnp.float32) * s
    bo = jnp.zeros((1,), dtype=jnp.float32)
    return {
        "user": user, "movie": movie,
        "gmf_user": gmf_user, "gmf_movie": gmf_movie,
        "mlp_user": mlp_user, "mlp_movie": mlp_movie,
        "W1": W1, "b1": b1, "W2": W2, "b2": b2,
        "W3": W3, "b3": b3, "Wo": Wo, "bo": bo,
    }


def reference(user, movie, gmf_user, gmf_movie, mlp_user, mlp_movie,
              W1, b1, W2, b2, W3, b3, Wo, bo):
    # GMF branch: elementwise product of gathered embeddings
    gmf = jnp.take(gmf_user, user, axis=0) * jnp.take(gmf_movie, movie, axis=0)
    # MLP branch (dropout is identity in eval mode)
    h = jnp.concatenate([jnp.take(mlp_user, user, axis=0),
                         jnp.take(mlp_movie, movie, axis=0)], axis=1)
    h = jax.nn.relu(h @ W1.T + b1)
    h = jax.nn.relu(h @ W2.T + b2)
    h = jax.nn.relu(h @ W3.T + b3)
    out = jnp.concatenate([gmf, h], axis=1) @ Wo.T + bo
    return jnp.squeeze(out)

if __name__ == "__main__":
    import jax
    _d = setup_inputs()
    print(jax.jit(kernel)(*tuple(_d.values())))

</pallas_src>

<mosaic_0001>
#map = affine_map<(d0, d1) -> (0)>
#map1 = affine_map<(d0, d1) -> (0, 0)>
module attributes {stable_mosaic.version = 14 : i64} {
  func.func @k(%arg0: i32, %arg1: i32, %arg2: memref<16384xi32, #tpu.memory_space<hbm>>, %arg3: memref<16384xi32, #tpu.memory_space<hbm>>, %arg4: memref<1000001x32xf32, #tpu.memory_space<hbm>>, %arg5: memref<100001x32xf32, #tpu.memory_space<hbm>>, %arg6: memref<1000001x32xf32, #tpu.memory_space<hbm>>, %arg7: memref<100001x32xf32, #tpu.memory_space<hbm>>, %arg8: memref<16384x32xf32, #tpu.memory_space<hbm>>, %arg9: memref<16384x32xf32, #tpu.memory_space<hbm>>, %arg10: memref<16384x32xf32, #tpu.memory_space<hbm>>, %arg11: memref<16384x32xf32, #tpu.memory_space<hbm>>, %arg12: memref<512xi32, #tpu.memory_space<vmem>>, %arg13: memref<512xi32, #tpu.memory_space<vmem>>, %arg14: memref<512x32xf32, #tpu.memory_space<vmem>>, %arg15: memref<512x32xf32, #tpu.memory_space<vmem>>, %arg16: memref<512x32xf32, #tpu.memory_space<vmem>>, %arg17: memref<512x32xf32, #tpu.memory_space<vmem>>, %arg18: memref<!tpu.dma_semaphore, #tpu.memory_space<semaphore_mem>>) attributes {dimension_semantics = [#tpu.dimension_semantics<core_parallel>, #tpu.dimension_semantics<subcore_parallel>], iteration_bounds = array<i64: 2, 16>, scalar_prefetch = 0 : i64, scratch_operands = 7 : i64, tpu.core_type = #tpu.core_type<sc_vector_subcore>, window_params = [{transform_indices = #map}, {transform_indices = #map}, {transform_indices = #map1}, {transform_indices = #map1}, {transform_indices = #map1}, {transform_indices = #map1}, {transform_indices = #map1}, {transform_indices = #map1}, {transform_indices = #map1}, {transform_indices = #map1}]} {
    %mul3A = arith.constant 2 : i32
    %mul3A_0 = arith.muli %arg1, %mul3A : i32
    %add3A = arith.addi %mul3A_0, %arg0 : i32
    %mul3A_1 = arith.constant 512 : i32
    %mul3A_2 = arith.muli %add3A, %mul3A_1 : i32
    "tpu.region"() ({
      %run_scoped3A = tpu.sem_alloc : memref<!tpu.dma_semaphore, #tpu.memory_space<semaphore_mem>>
      %dma_start3A_25 = tpu.memref_slice %arg2[%mul3A_2] : memref<16384xi32, #tpu.memory_space<hbm>> -> memref<512xi32, #tpu.memory_space<hbm>>
      %dma_start3A_26 = tpu.memref_slice %arg2[%mul3A_2] : memref<16384xi32, #tpu.memory_space<hbm>> -> memref<512xi32, #tpu.memory_space<hbm>>
      tpu.enqueue_dma source(%dma_start3A_26 : memref<512xi32, #tpu.memory_space<hbm>>) target(%arg12 : memref<512xi32, #tpu.memory_space<vmem>>) target_semaphore(%run_scoped3A : memref<!tpu.dma_semaphore, #tpu.memory_space<semaphore_mem>>)
      %dma_wait3A_27 = tpu.memref_slice %arg2[%mul3A_2] : memref<16384xi32, #tpu.memory_space<hbm>> -> memref<512xi32, #tpu.memory_space<hbm>>
      %dma_wait3A_28 = tpu.memref_slice %arg2[%mul3A_2] : memref<16384xi32, #tpu.memory_space<hbm>> -> memref<512xi32, #tpu.memory_space<hbm>>
      tpu.wait_dma2 semaphore(%run_scoped3A : memref<!tpu.dma_semaphore, #tpu.memory_space<semaphore_mem>>) src(%dma_wait3A_28 : memref<512xi32, #tpu.memory_space<hbm>>) dst(%arg12 : memref<512xi32, #tpu.memory_space<vmem>>)
      tpu.yield
    }) : () -> ()
    "tpu.region"() ({
      %run_scoped3A = tpu.sem_alloc : memref<!tpu.dma_semaphore, #tpu.memory_space<semaphore_mem>>
      %dma_start3A_25 = tpu.memref_slice %arg3[%mul3A_2] : memref<16384xi32, #tpu.memory_space<hbm>> -> memref<512xi32, #tpu.memory_space<hbm>>
      %dma_start3A_26 = tpu.memref_slice %arg3[%mul3A_2] : memref<16384xi32, #tpu.memory_space<hbm>> -> memref<512xi32, #tpu.memory_space<hbm>>
      tpu.enqueue_dma source(%dma_start3A_26 : memref<512xi32, #tpu.memory_space<hbm>>) target(%arg13 : memref<512xi32, #tpu.memory_space<vmem>>) target_semaphore(%run_scoped3A : memref<!tpu.dma_semaphore, #tpu.memory_space<semaphore_mem>>)
      %dma_wait3A_27 = tpu.memref_slice %arg3[%mul3A_2] : memref<16384xi32, #tpu.memory_space<hbm>> -> memref<512xi32, #tpu.memory_space<hbm>>
      %dma_wait3A_28 = tpu.memref_slice %arg3[%mul3A_2] : memref<16384xi32, #tpu.memory_space<hbm>> -> memref<512xi32, #tpu.memory_space<hbm>>
      tpu.wait_dma2 semaphore(%run_scoped3A : memref<!tpu.dma_semaphore, #tpu.memory_space<semaphore_mem>>) src(%dma_wait3A_28 : memref<512xi32, #tpu.memory_space<hbm>>) dst(%arg13 : memref<512xi32, #tpu.memory_space<vmem>>)
      tpu.yield
    }) : () -> ()
    %dma_start3A = arith.constant 0 : i32
    %dma_start3A_3 = arith.constant 0 : i32
    %dma_start3A_4 = tpu.memref_slice %arg4[%dma_start3A, %dma_start3A_3] : memref<1000001x32xf32, #tpu.memory_space<hbm>> -> memref<1000001x32xf32, #tpu.memory_space<hbm>>
    tpu.enqueue_indirect_dma source(%dma_start3A_4 : memref<1000001x32xf32, #tpu.memory_space<hbm>>) target(%arg14 : memref<512x32xf32, #tpu.memory_space<vmem>>) offsets(%arg12 : memref<512xi32, #tpu.memory_space<vmem>>) semaphore(%arg18 : memref<!tpu.dma_semaphore, #tpu.memory_space<semaphore_mem>>)
    %dma_start3A_5 = arith.constant 0 : i32
    %dma_start3A_6 = arith.constant 0 : i32
    %dma_start3A_7 = tpu.memref_slice %arg5[%dma_start3A_5, %dma_start3A_6] : memref<100001x32xf32, #tpu.memory_space<hbm>> -> memref<100001x32xf32, #tpu.memory_space<hbm>>
    tpu.enqueue_indirect_dma source(%dma_start3A_7 : memref<100001x32xf32, #tpu.memory_space<hbm>>) target(%arg15 : memref<512x32xf32, #tpu.memory_space<vmem>>) offsets(%arg13 : memref<512xi32, #tpu.memory_space<vmem>>) semaphore(%arg18 : memref<!tpu.dma_semaphore, #tpu.memory_space<semaphore_mem>>)
    %dma_start3A_8 = arith.constant 0 : i32
    %dma_start3A_9 = arith.constant 0 : i32
    %dma_start3A_10 = tpu.memref_slice %arg6[%dma_start3A_8, %dma_start3A_9] : memref<1000001x32xf32, #tpu.memory_space<hbm>> -> memref<1000001x32xf32, #tpu.memory_space<hbm>>
    tpu.enqueue_indirect_dma source(%dma_start3A_10 : memref<1000001x32xf32, #tpu.memory_space<hbm>>) target(%arg16 : memref<512x32xf32, #tpu.memory_space<vmem>>) offsets(%arg12 : memref<512xi32, #tpu.memory_space<vmem>>) semaphore(%arg18 : memref<!tpu.dma_semaphore, #tpu.memory_space<semaphore_mem>>)
    %dma_start3A_11 = arith.constant 0 : i32
    %dma_start3A_12 = arith.constant 0 : i32
    %dma_start3A_13 = tpu.memref_slice %arg7[%dma_start3A_11, %dma_start3A_12] : memref<100001x32xf32, #tpu.memory_space<hbm>> -> memref<100001x32xf32, #tpu.memory_space<hbm>>
    tpu.enqueue_indirect_dma source(%dma_start3A_13 : memref<100001x32xf32, #tpu.memory_space<hbm>>) target(%arg17 : memref<512x32xf32, #tpu.memory_space<vmem>>) offsets(%arg13 : memref<512xi32, #tpu.memory_space<vmem>>) semaphore(%arg18 : memref<!tpu.dma_semaphore, #tpu.memory_space<semaphore_mem>>)
    %dma_wait3A = arith.constant 0 : i32
    %dma_wait3A_14 = arith.constant 0 : i32
    %dma_wait3A_15 = tpu.memref_slice %arg4[%dma_wait3A, %dma_wait3A_14] : memref<1000001x32xf32, #tpu.memory_space<hbm>> -> memref<1000001x32xf32, #tpu.memory_space<hbm>>
    tpu.wait_indirect_dma semaphore(%arg18 : memref<!tpu.dma_semaphore, #tpu.memory_space<semaphore_mem>>) src(%dma_wait3A_15 : memref<1000001x32xf32, #tpu.memory_space<hbm>>) dst(%arg14 : memref<512x32xf32, #tpu.memory_space<vmem>>)
    %dma_wait3A_16 = arith.constant 0 : i32
    %dma_wait3A_17 = arith.constant 0 : i32
    %dma_wait3A_18 = tpu.memref_slice %arg5[%dma_wait3A_16, %dma_wait3A_17] : memref<100001x32xf32, #tpu.memory_space<hbm>> -> memref<100001x32xf32, #tpu.memory_space<hbm>>
    tpu.wait_indirect_dma semaphore(%arg18 : memref<!tpu.dma_semaphore, #tpu.memory_space<semaphore_mem>>) src(%dma_wait3A_18 : memref<100001x32xf32, #tpu.memory_space<hbm>>) dst(%arg15 : memref<512x32xf32, #tpu.memory_space<vmem>>)
    %dma_wait3A_19 = arith.constant 0 : i32
    %dma_wait3A_20 = arith.constant 0 : i32
    %dma_wait3A_21 = tpu.memref_slice %arg6[%dma_wait3A_19, %dma_wait3A_20] : memref<1000001x32xf32, #tpu.memory_space<hbm>> -> memref<1000001x32xf32, #tpu.memory_space<hbm>>
    tpu.wait_indirect_dma semaphore(%arg18 : memref<!tpu.dma_semaphore, #tpu.memory_space<semaphore_mem>>) src(%dma_wait3A_21 : memref<1000001x32xf32, #tpu.memory_space<hbm>>) dst(%arg16 : memref<512x32xf32, #tpu.memory_space<vmem>>)
    %dma_wait3A_22 = arith.constant 0 : i32
    %dma_wait3A_23 = arith.constant 0 : i32
    %dma_wait3A_24 = tpu.memref_slice %arg7[%dma_wait3A_22, %dma_wait3A_23] : memref<100001x32xf32, #tpu.memory_space<hbm>> -> memref<100001x32xf32, #tpu.memory_space<hbm>>
    tpu.wait_indirect_dma semaphore(%arg18 : memref<!tpu.dma_semaphore, #tpu.memory_space<semaphore_mem>>) src(%dma_wait3A_24 : memref<100001x32xf32, #tpu.memory_space<hbm>>) dst(%arg17 : memref<512x32xf32, #tpu.memory_space<vmem>>)
    "tpu.region"() ({
      %run_scoped3A = tpu.sem_alloc : memref<!tpu.dma_semaphore, #tpu.memory_space<semaphore_mem>>
      %dma_start3A_25 = arith.constant 0 : i32
      %dma_start3A_26 = tpu.memref_slice %arg8[%mul3A_2, %dma_start3A_25] : memref<16384x32xf32, #tpu.memory_space<hbm>> -> memref<512x32xf32, #tpu.memory_space<hbm>>
      %dma_start3A_27 = arith.constant 0 : i32
      %dma_start3A_28 = tpu.memref_slice %arg8[%mul3A_2, %dma_start3A_27] : memref<16384x32xf32, #tpu.memory_space<hbm>> -> memref<512x32xf32, #tpu.memory_space<hbm>>
      tpu.enqueue_dma source(%arg14 : memref<512x32xf32, #tpu.memory_space<vmem>>) target(%dma_start3A_28 : memref<512x32xf32, #tpu.memory_space<hbm>>) target_semaphore(%run_scoped3A : memref<!tpu.dma_semaphore, #tpu.memory_space<semaphore_mem>>)
      %dma_wait3A_29 = arith.constant 0 : i32
      %dma_wait3A_30 = tpu.memref_slice %arg8[%mul3A_2, %dma_wait3A_29] : memref<16384x32xf32, #tpu.memory_space<hbm>> -> memref<512x32xf32, #tpu.memory_space<hbm>>
      %dma_wait3A_31 = arith.constant 0 : i32
      %dma_wait3A_32 = tpu.memref_slice %arg8[%mul3A_2, %dma_wait3A_31] : memref<16384x32xf32, #tpu.memory_space<hbm>> -> memref<512x32xf32, #tpu.memory_space<hbm>>
      tpu.wait_dma2 semaphore(%run_scoped3A : memref<!tpu.dma_semaphore, #tpu.memory_space<semaphore_mem>>) src(%arg14 : memref<512x32xf32, #tpu.memory_space<vmem>>) dst(%dma_wait3A_32 : memref<512x32xf32, #tpu.memory_space<hbm>>)
      tpu.yield
    }) : () -> ()
    "tpu.region"() ({
      %run_scoped3A = tpu.sem_alloc : memref<!tpu.dma_semaphore, #tpu.memory_space<semaphore_mem>>
      %dma_start3A_25 = arith.constant 0 : i32
      %dma_start3A_26 = tpu.memref_slice %arg9[%mul3A_2, %dma_start3A_25] : memref<16384x32xf32, #tpu.memory_space<hbm>> -> memref<512x32xf32, #tpu.memory_space<hbm>>
      %dma_start3A_27 = arith.constant 0 : i32
      %dma_start3A_28 = tpu.memref_slice %arg9[%mul3A_2, %dma_start3A_27] : memref<16384x32xf32, #tpu.memory_space<hbm>> -> memref<512x32xf32, #tpu.memory_space<hbm>>
      tpu.enqueue_dma source(%arg15 : memref<512x32xf32, #tpu.memory_space<vmem>>) target(%dma_start3A_28 : memref<512x32xf32, #tpu.memory_space<hbm>>) target_semaphore(%run_scoped3A : memref<!tpu.dma_semaphore, #tpu.memory_space<semaphore_mem>>)
      %dma_wait3A_29 = arith.constant 0 : i32
      %dma_wait3A_30 = tpu.memref_slice %arg9[%mul3A_2, %dma_wait3A_29] : memref<16384x32xf32, #tpu.memory_space<hbm>> -> memref<512x32xf32, #tpu.memory_space<hbm>>
      %dma_wait3A_31 = arith.constant 0 : i32
      %dma_wait3A_32 = tpu.memref_slice %arg9[%mul3A_2, %dma_wait3A_31] : memref<16384x32xf32, #tpu.memory_space<hbm>> -> memref<512x32xf32, #tpu.memory_space<hbm>>
      tpu.wait_dma2 semaphore(%run_scoped3A : memref<!tpu.dma_semaphore, #tpu.memory_space<semaphore_mem>>) src(%arg15 : memref<512x32xf32, #tpu.memory_space<vmem>>) dst(%dma_wait3A_32 : memref<512x32xf32, #tpu.memory_space<hbm>>)
      tpu.yield
    }) : () -> ()
    "tpu.region"() ({
      %run_scoped3A = tpu.sem_alloc : memref<!tpu.dma_semaphore, #tpu.memory_space<semaphore_mem>>
      %dma_start3A_25 = arith.constant 0 : i32
      %dma_start3A_26 = tpu.memref_slice %arg10[%mul3A_2, %dma_start3A_25] : memref<16384x32xf32, #tpu.memory_space<hbm>> -> memref<512x32xf32, #tpu.memory_space<hbm>>
      %dma_start3A_27 = arith.constant 0 : i32
      %dma_start3A_28 = tpu.memref_slice %arg10[%mul3A_2, %dma_start3A_27] : memref<16384x32xf32, #tpu.memory_space<hbm>> -> memref<512x32xf32, #tpu.memory_space<hbm>>
      tpu.enqueue_dma source(%arg16 : memref<512x32xf32, #tpu.memory_space<vmem>>) target(%dma_start3A_28 : memref<512x32xf32, #tpu.memory_space<hbm>>) target_semaphore(%run_scoped3A : memref<!tpu.dma_semaphore, #tpu.memory_space<semaphore_mem>>)
      %dma_wait3A_29 = arith.constant 0 : i32
      %dma_wait3A_30 = tpu.memref_slice %arg10[%mul3A_2, %dma_wait3A_29] : memref<16384x32xf32, #tpu.memory_space<hbm>> -> memref<512x32xf32, #tpu.memory_space<hbm>>
      %dma_wait3A_31 = arith.constant 0 : i32
      %dma_wait3A_32 = tpu.memref_slice %arg10[%mul3A_2, %dma_wait3A_31] : memref<16384x32xf32, #tpu.memory_space<hbm>> -> memref<512x32xf32, #tpu.memory_space<hbm>>
      tpu.wait_dma2 semaphore(%run_scoped3A : memref<!tpu.dma_semaphore, #tpu.memory_space<semaphore_mem>>) src(%arg16 : memref<512x32xf32, #tpu.memory_space<vmem>>) dst(%dma_wait3A_32 : memref<512x32xf32, #tpu.memory_space<hbm>>)
      tpu.yield
    }) : () -> ()
    "tpu.region"() ({
      %run_scoped3A = tpu.sem_alloc : memref<!tpu.dma_semaphore, #tpu.memory_space<semaphore_mem>>
      %dma_start3A_25 = arith.constant 0 : i32
      %dma_start3A_26 = tpu.memref_slice %arg11[%mul3A_2, %dma_start3A_25] : memref<16384x32xf32, #tpu.memory_space<hbm>> -> memref<512x32xf32, #tpu.memory_space<hbm>>
      %dma_start3A_27 = arith.constant 0 : i32
      %dma_start3A_28 = tpu.memref_slice %arg11[%mul3A_2, %dma_start3A_27] : memref<16384x32xf32, #tpu.memory_space<hbm>> -> memref<512x32xf32, #tpu.memory_space<hbm>>
      tpu.enqueue_dma source(%arg17 : memref<512x32xf32, #tpu.memory_space<vmem>>) target(%dma_start3A_28 : memref<512x32xf32, #tpu.memory_space<hbm>>) target_semaphore(%run_scoped3A : memref<!tpu.dma_semaphore, #tpu.memory_space<semaphore_mem>>)
      %dma_wait3A_29 = arith.constant 0 : i32
      %dma_wait3A_30 = tpu.memref_slice %arg11[%mul3A_2, %dma_wait3A_29] : memref<16384x32xf32, #tpu.memory_space<hbm>> -> memref<512x32xf32, #tpu.memory_space<hbm>>
      %dma_wait3A_31 = arith.constant 0 : i32
      %dma_wait3A_32 = tpu.memref_slice %arg11[%mul3A_2, %dma_wait3A_31] : memref<16384x32xf32, #tpu.memory_space<hbm>> -> memref<512x32xf32, #tpu.memory_space<hbm>>
      tpu.wait_dma2 semaphore(%run_scoped3A : memref<!tpu.dma_semaphore, #tpu.memory_space<semaphore_mem>>) src(%arg17 : memref<512x32xf32, #tpu.memory_space<vmem>>) dst(%dma_wait3A_32 : memref<512x32xf32, #tpu.memory_space<hbm>>)
      tpu.yield
    }) : () -> ()
    return
  }
}

module attributes {stable_mosaic.version = 14 : i64} {
  func.func @_mlp_body(%arg0: i32, %arg1: memref<2048x32xf32, #tpu.memory_space<vmem>>, %arg2: memref<2048x32xf32, #tpu.memory_space<vmem>>, %arg3: memref<2048x32xf32, #tpu.memory_space<vmem>>, %arg4: memref<2048x32xf32, #tpu.memory_space<vmem>>, %arg5: memref<128x64xf32, #tpu.memory_space<vmem>>, %arg6: memref<1x128xf32, #tpu.memory_space<vmem>>, %arg7: memref<64x128xf32, #tpu.memory_space<vmem>>, %arg8: memref<1x64xf32, #tpu.memory_space<vmem>>, %arg9: memref<32x64xf32, #tpu.memory_space<vmem>>, %arg10: memref<1x32xf32, #tpu.memory_space<vmem>>, %arg11: memref<1x64xf32, #tpu.memory_space<vmem>>, %arg12: memref<1x1xf32, #tpu.memory_space<vmem>>, %arg13: memref<2048xf32, #tpu.memory_space<vmem>>) attributes {dimension_semantics = [#tpu.dimension_semantics<arbitrary>], iteration_bounds = array<i64: 8>, scalar_prefetch = 0 : i64, scratch_operands = 0 : i64, tpu.core_type = #tpu.core_type<tc>, window_params = [{transform_indices = @transform_0, window_bounds = array<i64: 2048, 32>}, {transform_indices = @transform_1, window_bounds = array<i64: 2048, 32>}, {transform_indices = @transform_2, window_bounds = array<i64: 2048, 32>}, {transform_indices = @transform_3, window_bounds = array<i64: 2048, 32>}, {pipeline_mode = #tpu.pipeline_mode<synchronous>, transform_indices = @transform_4, window_bounds = array<i64: 128, 64>}, {pipeline_mode = #tpu.pipeline_mode<synchronous>, transform_indices = @transform_5, window_bounds = array<i64: 1, 128>}, {pipeline_mode = #tpu.pipeline_mode<synchronous>, transform_indices = @transform_6, window_bounds = array<i64: 64, 128>}, {pipeline_mode = #tpu.pipeline_mode<synchronous>, transform_indices = @transform_7, window_bounds = array<i64: 1, 64>}, {pipeline_mode = #tpu.pipeline_mode<synchronous>, transform_indices = @transform_8, window_bounds = array<i64: 32, 64>}, {pipeline_mode = #tpu.pipeline_mode<synchronous>, transform_indices = @transform_9, window_bounds = array<i64: 1, 32>}, {pipeline_mode = #tpu.pipeline_mode<synchronous>, transform_indices = @transform_10, window_bounds = array<i64: 1, 64>}, {pipeline_mode = #tpu.pipeline_mode<synchronous>, transform_indices = @transform_11, window_bounds = array<i64: 1, 1>}, {transform_indices = @transform_12, window_bounds = array<i64: 2048>}]} {
    %get3A = arith.constant 0 : index
    %get3A_0 = arith.constant 0 : index
    %get3A_1 = vector.load %arg5[%get3A, %get3A_0] : memref<128x64xf32, #tpu.memory_space<vmem>>, vector<128x64xf32>
    %get3A_2 = arith.constant 0 : index
    %get3A_3 = arith.constant 0 : index
    %get3A_4 = vector.load %arg3[%get3A_2, %get3A_3] : memref<2048x32xf32, #tpu.memory_space<vmem>>, vector<2048x32xf32>
    %slice3A = vector.extract_strided_slice %get3A_1 {offsets = [0, 0], sizes = [128, 32], strides = [1, 1]} : vector<128x64xf32> to vector<128x32xf32>
    %dot_general3A = arith.constant dense<0.000000e+00> : vector<2048x128xf32>
    %dot_general3A_5 = tpu.matmul %get3A_4, %slice3A, %dot_general3A {dimension_numbers = #tpu.dot_dimension_numbers<[1], [1], [0], [0], [0, 0, 1, 0], [], []>, transpose_lhs_hint = false} : vector<2048x32xf32>, vector<128x32xf32>, vector<2048x128xf32> -> vector<2048x128xf32>
    %get3A_6 = arith.constant 0 : index
    %get3A_7 = arith.constant 0 : index
    %get3A_8 = vector.load %arg4[%get3A_6, %get3A_7] : memref<2048x32xf32, #tpu.memory_space<vmem>>, vector<2048x32xf32>
    %slice3A_9 = vector.extract_strided_slice %get3A_1 {offsets = [0, 32], sizes = [128, 32], strides = [1, 1]} : vector<128x64xf32> to vector<128x32xf32>
    %dot_general3A_10 = arith.constant dense<0.000000e+00> : vector<2048x128xf32>
    %dot_general3A_11 = tpu.matmul %get3A_8, %slice3A_9, %dot_general3A_10 {dimension_numbers = #tpu.dot_dimension_numbers<[1], [1], [0], [0], [0, 0, 1, 0], [], []>, transpose_lhs_hint = false} : vector<2048x32xf32>, vector<128x32xf32>, vector<2048x128xf32> -> vector<2048x128xf32>
    %add3A = arith.addf %dot_general3A_5, %dot_general3A_11 : vector<2048x128xf32>
    %get3A_12 = arith.constant 0 : index
    %get3A_13 = arith.constant 0 : index
    %get3A_14 = vector.load %arg6[%get3A_12, %get3A_13] : memref<1x128xf32, #tpu.memory_space<vmem>>, vector<1x128xf32>
    %add3A_15 = vector.broadcast %get3A_14 : vector<1x128xf32> to vector<2048x128xf32>
    %add3A_16 = arith.addf %add3A, %add3A_15 : vector<2048x128xf32>
    %max3A = arith.constant 0.000000e+00 : f32
    %max3A_17 = vector.broadcast %max3A : f32 to vector<2048x128xf32>
    %max3A_18 = arith.maximumf %add3A_16, %max3A_17 : vector<2048x128xf32>
    %get3A_19 = arith.constant 0 : index
    %get3A_20 = arith.constant 0 : index
    %get3A_21 = vector.load %arg7[%get3A_19, %get3A_20] : memref<64x128xf32, #tpu.memory_space<vmem>>, vector<64x128xf32>
    %dot_general3A_22 = arith.constant dense<0.000000e+00> : vector<2048x64xf32>
    %dot_general3A_23 = tpu.matmul %max3A_18, %get3A_21, %dot_general3A_22 {dimension_numbers = #tpu.dot_dimension_numbers<[1], [1], [0], [0], [0, 0, 1, 0], [], []>, transpose_lhs_hint = false} : vector<2048x128xf32>, vector<64x128xf32>, vector<2048x64xf32> -> vector<2048x64xf32>
    %get3A_24 = arith.constant 0 : index
    %get3A_25 = arith.constant 0 : index
    %get3A_26 = vector.load %arg8[%get3A_24, %get3A_25] : memref<1x64xf32, #tpu.memory_space<vmem>>, vector<1x64xf32>
    %add3A_27 = vector.broadcast %get3A_26 : vector<1x64xf32> to vector<2048x64xf32>
    %add3A_28 = arith.addf %dot_general3A_23, %add3A_27 : vector<2048x64xf32>
    %max3A_29 = arith.constant 0.000000e+00 : f32
    %max3A_30 = vector.broadcast %max3A_29 : f32 to vector<2048x64xf32>
    %max3A_31 = arith.maximumf %add3A_28, %max3A_30 : vector<2048x64xf32>
    %get3A_32 = arith.constant 0 : index
    %get3A_33 = arith.constant 0 : index
    %get3A_34 = vector.load %arg9[%get3A_32, %get3A_33] : memref<32x64xf32, #tpu.memory_space<vmem>>, vector<32x64xf32>
    %dot_general3A_35 = arith.constant dense<0.000000e+00> : vector<2048x32xf32>
    %dot_general3A_36 = tpu.matmul %max3A_31, %get3A_34, %dot_general3A_35 {dimension_numbers = #tpu.dot_dimension_numbers<[1], [1], [0], [0], [0, 0, 1, 0], [], []>, transpose_lhs_hint = false} : vector<2048x64xf32>, vector<32x64xf32>, vector<2048x32xf32> -> vector<2048x32xf32>
    %get3A_37 = arith.constant 0 : index
    %get3A_38 = arith.constant 0 : index
    %get3A_39 = vector.load %arg10[%get3A_37, %get3A_38] : memref<1x32xf32, #tpu.memory_space<vmem>>, vector<1x32xf32>
    %add3A_40 = vector.broadcast %get3A_39 : vector<1x32xf32> to vector<2048x32xf32>
    %add3A_41 = arith.addf %dot_general3A_36, %add3A_40 : vector<2048x32xf32>
    %max3A_42 = arith.constant 0.000000e+00 : f32
    %max3A_43 = vector.broadcast %max3A_42 : f32 to vector<2048x32xf32>
    %max3A_44 = arith.maximumf %add3A_41, %max3A_43 : vector<2048x32xf32>
    %get3A_45 = arith.constant 0 : index
    %get3A_46 = arith.constant 0 : index
    %get3A_47 = vector.load %arg1[%get3A_45, %get3A_46] : memref<2048x32xf32, #tpu.memory_space<vmem>>, vector<2048x32xf32>
    %get3A_48 = arith.constant 0 : index
    %get3A_49 = arith.constant 0 : index
    %get3A_50 = vector.load %arg2[%get3A_48, %get3A_49] : memref<2048x32xf32, #tpu.memory_space<vmem>>, vector<2048x32xf32>
    %mul3A = arith.mulf %get3A_47, %get3A_50 : vector<2048x32xf32>
    %get3A_51 = arith.constant 0 : index
    %get3A_52 = arith.constant 0 : index
    %get3A_53 = vector.load %arg11[%get3A_51, %get3A_52] : memref<1x64xf32, #tpu.memory_space<vmem>>, vector<1x64xf32>
    %slice3A_54 = vector.extract_strided_slice %get3A_53 {offsets = [0, 0], sizes = [1, 32], strides = [1, 1]} : vector<1x64xf32> to vector<1x32xf32>
    %mul3A_55 = vector.broadcast %slice3A_54 : vector<1x32xf32> to vector<2048x32xf32>
    %mul3A_56 = arith.mulf %mul3A, %mul3A_55 : vector<2048x32xf32>
    %reduce_sum3A = arith.constant dense<0.000000e+00> : vector<2048xf32>
    %reduce_sum3A_57 = vector.multi_reduction <add>, %mul3A_56, %reduce_sum3A [1] : vector<2048x32xf32> to vector<2048xf32>
    %slice3A_58 = vector.extract_strided_slice %get3A_53 {offsets = [0, 32], sizes = [1, 32], strides = [1, 1]} : vector<1x64xf32> to vector<1x32xf32>
    %mul3A_59 = vector.broadcast %slice3A_58 : vector<1x32xf32> to vector<2048x32xf32>
    %mul3A_60 = arith.mulf %max3A_44, %mul3A_59 : vector<2048x32xf32>
    %reduce_sum3A_61 = arith.constant dense<0.000000e+00> : vector<2048xf32>
    %reduce_sum3A_62 = vector.multi_reduction <add>, %mul3A_60, %reduce_sum3A_61 [1] : vector<2048x32xf32> to vector<2048xf32>
    %add3A_63 = arith.addf %reduce_sum3A_57, %reduce_sum3A_62 : vector<2048xf32>
    %get3A_64 = arith.constant 0 : index
    %get3A_65 = arith.constant 0 : index
    %get3A_66 = vector.load %arg12[%get3A_64, %get3A_65] : memref<1x1xf32, #tpu.memory_space<vmem>>, vector<1x1xf32>
    %get3A_67 = vector.extract %get3A_66[0, 0] : f32 from vector<1x1xf32>
    %add3A_68 = vector.broadcast %get3A_67 : f32 to vector<2048xf32>
    %add3A_69 = arith.addf %add3A_63, %add3A_68 : vector<2048xf32>
    %swap3A = arith.constant 0 : index
    %swap3A_70 = vector.load %arg13[%swap3A] : memref<2048xf32, #tpu.memory_space<vmem>>, vector<2048xf32>
    tpu.vector_store %arg13[%swap3A], %add3A_69 {strides = array<i32>} : memref<2048xf32, #tpu.memory_space<vmem>>, vector<2048xf32>,
    return
  }
  func.func @transform_0(%arg0: i32) -> (i32, i32) {
    %c0_i32 = arith.constant 0 : i32
    %c0_i32_0 = arith.constant 0 : i32
    return %arg0, %c0_i32 : i32, i32
  }
  func.func @transform_1(%arg0: i32) -> (i32, i32) {
    %c0_i32 = arith.constant 0 : i32
    %c0_i32_0 = arith.constant 0 : i32
    return %arg0, %c0_i32 : i32, i32
  }
  func.func @transform_2(%arg0: i32) -> (i32, i32) {
    %c0_i32 = arith.constant 0 : i32
    %c0_i32_0 = arith.constant 0 : i32
    return %arg0, %c0_i32 : i32, i32
  }
  func.func @transform_3(%arg0: i32) -> (i32, i32) {
    %c0_i32 = arith.constant 0 : i32
    %c0_i32_0 = arith.constant 0 : i32
    return %arg0, %c0_i32 : i32, i32
  }
  func.func @transform_4(%arg0: i32) -> (i32, i32) {
    %c0_i32 = arith.constant 0 : i32
    %c0_i32_0 = arith.constant 0 : i32
    %c0_i32_1 = arith.constant 0 : i32
    return %c0_i32, %c0_i32_0 : i32, i32
  }
  func.func @transform_5(%arg0: i32) -> (i32, i32) {
    %c0_i32 = arith.constant 0 : i32
    %c0_i32_0 = arith.constant 0 : i32
    %c0_i32_1 = arith.constant 0 : i32
    return %c0_i32, %c0_i32_0 : i32, i32
  }
  func.func @transform_6(%arg0: i32) -> (i32, i32) {
    %c0_i32 = arith.constant 0 : i32
    %c0_i32_0 = arith.constant 0 : i32
    %c0_i32_1 = arith.constant 0 : i32
    return %c0_i32, %c0_i32_0 : i32, i32
  }
  func.func @transform_7(%arg0: i32) -> (i32, i32) {
    %c0_i32 = arith.constant 0 : i32
    %c0_i32_0 = arith.constant 0 : i32
    %c0_i32_1 = arith.constant 0 : i32
    return %c0_i32, %c0_i32_0 : i32, i32
  }
  func.func @transform_8(%arg0: i32) -> (i32, i32) {
    %c0_i32 = arith.constant 0 : i32
    %c0_i32_0 = arith.constant 0 : i32
    %c0_i32_1 = arith.constant 0 : i32
    return %c0_i32, %c0_i32_0 : i32, i32
  }
  func.func @transform_9(%arg0: i32) -> (i32, i32) {
    %c0_i32 = arith.constant 0 : i32
    %c0_i32_0 = arith.constant 0 : i32
    %c0_i32_1 = arith.constant 0 : i32
    return %c0_i32, %c0_i32_0 : i32, i32
  }
  func.func @transform_10(%arg0: i32) -> (i32, i32) {
    %c0_i32 = arith.constant 0 : i32
    %c0_i32_0 = arith.constant 0 : i32
    %c0_i32_1 = arith.constant 0 : i32
    return %c0_i32, %c0_i32_0 : i32, i32
  }
  func.func @transform_11(%arg0: i32) -> (i32, i32) {
    %c0_i32 = arith.constant 0 : i32
    %c0_i32_0 = arith.constant 0 : i32
    %c0_i32_1 = arith.constant 0 : i32
    return %c0_i32, %c0_i32_0 : i32, i32
  }
  func.func @transform_12(%arg0: i32) -> i32 {
    %c0_i32 = arith.constant 0 : i32
    return %arg0 : i32
  }
}

</mosaic_0001>

<sc_bundles>
// kernel: kernel.4.cloned.1.call-start
scs
__scs_entry_jumppad:
0x0: {  	(pc) =	sbr.rel $0x88, $3  }
0x1: {  	(tag) =	ssettag $0x0;
	lr =	simm.s32 $0x1  }
0x2: {  	[smem:$0x3F93] =	sst lr;
	_ =	strace $0xD0000000  }
0x3: {  	_ = 	snop  }
0x4: {  	_ = 	snop  }
0x5: {  	_ = 	snop  }
0x6: {  	_ = 	snop  }
0x7: {  	_ = 	snop  }
__scs_overlays_trampoline_lowered:
0x8: {  	[smem:$0x3FA2] =	sst s0  }
0x9: {  	[smem:$0x3FA3] =	sst s1  }
0xa: {  	[smem:$0x3FA4] =	sst s2  }
0xb: {  	[smem:$0x3FA5] =	sst s3  }
0xc: {  	[smem:$0x3FA6] =	sst s4  }
0xd: {  	[smem:$0x3FA7] =	sst s5  }
0xe: {  	[smem:$0x3FA8] =	sst s6  }
0xf: {  	[smem:$0x3FA9] =	sst s7  }
0x10: {  	[smem:$0x3FAA] =	sst s8  }
0x11: {  	[smem:$0x3FAB] =	sst s9;
	s0 =	simm.s32 @!p0 $0x0  }
0x12: {  	s1 =	sld [smem:$0x3F91];
	s0 =	simm.s32 @p0 $0x1  }
0x13: {  	[smem:$0x3FAC] =	sst s0;
	s0 =	simm.s32 @!p1 $0x0  }
0x14: {  	s2 =	sld [smem:$0x3F90];
	s0 =	simm.s32 @p1 $0x1  }
0x15: {  	[smem:$0x3FAD] =	sst s0;
	s0 =	simm.s32 @!p2 $0x0  }
0x16: {  	s3 =	sld [smem:$0x3FDB];
	s0 =	simm.s32 @p2 $0x1  }
0x17: {  	s4 =	simm.s32 $0x1BF5;
	[smem:$0x3FAF] =	sst s0  }
0x18: {  	s0 =	sld [smem:$0x3F92];
	_ =	swait.ge [sflag:s4], $0x0  }
0x19: {  	s7 =	sld [smem:$0x3F93]  }
0x1a: {  	s8 =	sadd.s32 $0xFFFFE003, lr  }
0x1b: {  	s9 =	sadd.s32 $0xFFFFFEF7, lr;
	s5 =	simm.s32 $0xFFFFFFFF;
	p2 =	slt.u32 s8, $0xFFFFF086  }
0x1c: {  	p1 =	slt.u32 s9, $0xF7A;
	s5 =	simm.s32 @!p2 $0x0  }
0x1d: {  	s5 =	simm.s32 @p1 $0x1;
	p0 =	seq.s32 s7, s2  }
0x1e: {  	s7 =	smul.u32 @!p0 $0xF7A, s2;
	p2 =	seq.s32 @!p0 s5, $0x0  }
0x1f: {  	s9 =	smul.u32 $0xF7A, s1;
	s8 =	simm.s32 @!p0 $0x1BF5;
	p2 =	por !p2, p0  }
0x20: {  	[sflag:s8] =	ssyncset.s32 @!p0 $0xFFFFF086;
	s6 =	sadd.s32 @!p0 s3, s7;
	s7 =	simm.s32 @!p0 $0x108  }
0x21: {  	s3 =	sadd.s32 s3, s9;
	s6 =	sadd.s32 @!p0 $0x88, s6;
	s7 =	simm.s32 @p2 $0x1082  }
0x22: {  	[simem:s7], [sflag:s8] =	dma.local @!p0 [hbm:s6], $0xF7A  }
0x23: {  	s9 =	sor.u32 $0xD0000000, s2;
	s6 =	simm.s32 $0x108;
	_ =	swait.ge @!p0 [sflag:s8], $0x0  }
0x24: {  	s3 =	sadd.s32 $0x88, s3;
	s6 =	simm.s32 @!p1 $0x1082;
	[sflag:s4] =	ssyncset.s32 $0xFFFFF086  }
0x25: {  	[simem:s6], [sflag:s4] =	dma.local [hbm:s3], $0xF7A  }
0x26: {  	[smem:$0x3F93] =	sst s1;
	(tag) =	ssettag s2;
	_ =	strace s9  }
0x27: {  	s1 =	sld [smem:$0x3FA3]  }
0x28: {  	s2 =	sld [smem:$0x3FA4]  }
0x29: {  	s4 =	sld [smem:$0x3FA6]  }
0x2a: {  	p0 =	seq.s32 s5, $0x0;
	s5 =	sld [smem:$0x3FA7]  }
0x2b: {  	s6 =	sld [smem:$0x3FA8]  }
0x2c: {  	s7 =	sld [smem:$0x3FA9]  }
0x2d: {  	s3 =	simm.s32 $0x108;
	s8 =	sld [smem:$0x3FAA]  }
0x2e: {  	s3 =	simm.s32 @!p0 $0x1082;
	s9 =	sld [smem:$0x3FAB]  }
0x2f: {  	lr =	sadd.s32 s0, s3;
	s0 =	sld [smem:$0x3FA2]  }
0x30: {  	s3 =	sld [smem:$0x3FA5]  }
0x31: {  	[smem:$0x3FAE] =	sst s10  }
0x32: {  	s10 =	sld [smem:$0x3FAC];
	_ =	sdelay $0x3  }
0x33: {  	p0 =	seq.s32 s10, $0x1;
	s10 =	sld [smem:$0x3FAE];
	_ =	sdelay $0x3  }
0x34: {  	[smem:$0x3FAE] =	sst s10  }
0x35: {  	s10 =	sld [smem:$0x3FAD];
	_ =	sdelay $0x3  }
0x36: {  	p1 =	seq.s32 s10, $0x1;
	s10 =	sld [smem:$0x3FAE];
	_ =	sdelay $0x3  }
0x37: {  	[smem:$0x3FAE] =	sst s10  }
0x38: {  	s10 =	sld [smem:$0x3FAF]  }
0x39: {  	_ = 	snop;
	(pc) =	sbr.ind lr, $3  }
0x3a: {  	_ = 	snop  }
0x3b: {  	_ = 	snop  }
0x3c: {  	p2 =	seq.s32 s10, $0x1;
	s10 =	sld [smem:$0x3FAE]  }
0x3d: {  	_ =	shalt  }
0x3e: {  	_ =	shalt  }
0x3f: {  	_ =	shalt  }
0x40: {  	_ =	shalt  }
0x41: {  	_ =	shalt  }
0x42: {  	_ =	shalt  }
0x43: {  	_ =	shalt  }
0x44: {  	_ =	shalt  }
0x45: {  	_ =	shalt  }
0x46: {  	_ =	shalt  }
0x47: {  	_ =	shalt  }
0x48: {  	_ =	shalt  }
0x49: {  	_ =	shalt  }
0x4a: {  	_ =	shalt  }
0x4b: {  	_ =	shalt  }
0x4c: {  	_ =	shalt  }
0x4d: {  	_ =	shalt  }
0x4e: {  	_ =	shalt  }
0x4f: {  	_ =	shalt  }
0x50: {  	_ =	shalt  }
0x51: {  	_ =	shalt  }
0x52: {  	_ =	shalt  }
0x53: {  	_ =	shalt  }
0x54: {  	_ =	shalt  }
0x55: {  	_ =	shalt  }
0x56: {  	_ =	shalt  }
0x57: {  	_ =	shalt  }
0x58: {  	_ =	shalt  }
0x59: {  	_ =	shalt  }
0x5a: {  	_ =	shalt  }
0x5b: {  	_ =	shalt  }
0x5c: {  	_ =	shalt  }
0x5d: {  	_ =	shalt  }
0x5e: {  	_ =	shalt  }
0x5f: {  	_ =	shalt  }
0x60: {  	_ =	shalt  }
0x61: {  	_ =	shalt  }
0x62: {  	_ =	shalt  }
0x63: {  	_ =	shalt  }
0x64: {  	_ =	shalt  }
0x65: {  	_ =	shalt  }
0x66: {  	_ =	shalt  }
0x67: {  	_ =	shalt  }
0x68: {  	_ =	shalt  }
0x69: {  	_ =	shalt  }
0x6a: {  	_ =	shalt  }
0x6b: {  	_ =	shalt  }
0x6c: {  	_ =	shalt  }
0x6d: {  	_ =	shalt  }
0x6e: {  	_ =	shalt  }
0x6f: {  	_ =	shalt  }
0x70: {  	_ =	shalt  }
0x71: {  	_ =	shalt  }
0x72: {  	_ =	shalt  }
0x73: {  	_ =	shalt  }
0x74: {  	_ =	shalt  }
0x75: {  	_ =	shalt  }
0x76: {  	_ =	shalt  }
0x77: {  	_ =	shalt  }
0x78: {  	_ =	shalt  }
0x79: {  	_ =	shalt  }
0x7a: {  	_ =	shalt  }
0x7b: {  	_ =	shalt  }
0x7c: {  	_ =	shalt  }
0x7d: {  	_ =	shalt  }
0x7e: {  	_ =	shalt  }
0x7f: {  	_ =	shalt  }
0x80: {  	_ =	shalt  }
0x81: {  	_ =	shalt  }
0x82: {  	_ =	shalt  }
0x83: {  	_ =	shalt  }
0x84: {  	_ =	shalt  }
0x85: {  	_ =	shalt  }
0x86: {  	_ =	shalt  }
0x87: {  	_ =	shalt  }
.Lfunc_end0:
.L_simem_size_0:
called_computation_lowered:
.L_overlay_start_0:
0x88: {  	s2 =	sld [smem:$0x3FD9]  }
0x89: {  	s3 =	sld [smem:$0x3FFE];
	_ =	sdelay $0x1  }
0x8a: {  	s1 =	srdreg.scid  }
0x8b: {  	s0 =	sand.u32 $0x1, s1  }
0x8c: {  	s17 =	sshll.u32 s0, $0xA;
	s2 =	sadd.s32 s3, s2  }
0x8d: {  	s2 =	sadd.s32 s2, s17  }
0x8e: {  	[smem:$0x3FBA] =	sst s2  }
0x8f: {  	_ = 	snop  }
0x90: {  	s2 =	sld [smem:$0x3FC9]  }
0x91: {  	s18 =	sld [smem:$0x3FC8];
	(tm) =	ssettm $0x1  }
0x92: {  	s4 =	sld [smem:$0x3FFB];
	_ =	sdelay $0x3  }
0x93: {  	_ =	strace s4  }
0x94: {  	s4 =	sld [smem:$0x3FFC];
	_ =	sdelay $0x3  }
0x95: {  	_ =	strace s4  }
0x96: {  	s4 =	sld [smem:$0x3FFD];
	_ =	sdelay $0x3  }
0x97: {  	_ =	strace s4  }
0x98: {  	_ =	strace $0x8FFFFFFF  }
0x99: {  	s19 =	sld [smem:$0x3FDB];
	_ =	sdelay $0x1  }
0x9a: {  	s5 =	simm.s32 $_scs_section_size  }
0x9b: {  	s6 =	simm.s32 $_size__tile_overlayer_lowered;
	s7 =	simm.s32 $_tile_overlayer_lowered  }
0x9c: {  	s22 =	simm.s32 $0x1BFF;
	s21 =	sshll.u32 s7, $0x1;
	s4 =	sadd.s32 s5, s19  }
0x9d: {  	s8 =	simm.s32 $0x0;
	s20 =	sshll.u32 s6, $0x1;
	s6 =	sadd.s32 s21, s4  }
0x9e: {  	[timem:s8], [sflag:s22] =	dma.local [hbm:s6], s20  }
0x9f: {  	_ =	swait.ge [sflag:s22], s20  }
0xa0: {  	s5 =	ssub.s32 $0x0, s20;
	[sflag:s22] =	ssyncset.done $0x0  }
0xa1: {  	[sflag:s22] =	ssyncadd.s32 s5;
	_ =	sdelay $0x1  }
0xa2: {  	s23 =	simm.s32 $0x1B8B  }
0xa3: {  	_ =	swait.ge [sflag:s23], $0x1  }
0xa4: {  	[sflag:s23] =	ssyncset.done $0x0  }
0xa5: {  	s25 =	simm.s32 $0x1B8E;
	s24 =	sld [smem:$0x3FFE];
	[sflag:s23] =	ssyncadd.s32 $0xFFFFFFFF  }
0xa6: {  	s26 =	simm.s32 $execute0_lowered;
	[smem:$0x3FD2] =	sst s25  }
0xa7: {  	s6 =	sshll.u32 s26, $0x1;
	_ =	strace $0x80000046;
	[dreg:$0x1] =	wrdreg $0xFFFFFFFF  }
0xa8: {  	s28 =	simm.s32 $_size_execute0_lowered;
	s4 =	sadd.s32 s4, s6;
	[dreg:$0x0] =	wrdreg $0x0  }
0xa9: {  	s6 =	sshll.u32 s28, $0x1;
	[dreg:$0x2] =	wrdreg s4  }
0xaa: {  	[dreg:$0x3] =	wrdreg s6  }
0xab: {  	[dreg:$0x4] =	wrdreg $0xC0  }
0xac: {  	_ =	task [dreg:s8], $0x5FFFF  }
0xad: {  	[dreg:$0x1] =	wrdreg $0xFFFFFFFF  }
0xae: {  	[dreg:$0x0] =	wrdreg $0x60  }
0xaf: {  	[dreg:$0x2] =	wrdreg s2  }
0xb0: {  	[dreg:$0x3] =	wrdreg s18  }
0xb1: {  	[dreg:$0x4] =	wrdreg s24  }
0xb2: {  	[dreg:$0x5] =	wrdreg $0x9  }
0xb3: {  	_ =	task.clear_ibuf [dreg:s8], $0x6FFFF;
	_ =	strace $0x90000046  }
0xb4: {  	s29 =	simm.s32 $0x9;
	_ =	strace $0x80000048  }
0xb5: {  	_ =	swait.ge [sflag:s29], $0x1  }
0xb6: {  	[sflag:s29] =	ssyncadd.s32 $0xFFFFFFFF  }
0xb7: {  	_ =	strace $0x90000048  }
0xb8: {  	_ =	sfence  }
0xb9: {  	s30 =	sld [smem:$0x0];
	_ =	sdelay $0x2  }
0xba: {  	s31 =	sshll.u32 s1, $0xD;
	s1 =	sshrl.u32 s1, $0x2  }
0xbb: {  	s3 =	sand.u32 $0x4000, s31;
	s1 =	sadd.s32 s1, s30  }
0xbc: {  	s0 =	sor.u32 s3, s0;
	s1 =	sshll.u32 s1, $0x11  }
0xbd: {  	s0 =	sor.u32 s1, s0  }
0xbe: {  	s0 =	sadd.s32 $0x8F2B, s0  }
0xbf: {  	[sflag:s0] =	ssyncadd.remote.s32 $0x1  }
0xc0: {  	_ =	sfence.sel $0xFFFF  }
0xc1: {  	[dreg:$0x0] =	wrdreg $0xFFFFFFFF;
	(pc) =	sbr.abs _section_cstart, $3  }
0xc2: {  	[dreg:$0x1] =	wrdreg $0xFFFFFFFF  }
0xc3: {  	_ =	task.clear_ibuf [dreg:s8], $0x2FFFF;
	_ =	strace $0x9FFFFFFF  }
0xc4: {  	(tm) =	ssettm $0x7FFFFFFF  }
0xc5: {  	_ =	shalt  }
tec
execute0_lowered:
.L_overlay_start_1:
0x0: {  	(tag) =	ssettag $0x1  }
0x1: {  	s3 =	rddreg [dreg:$0x0];
	s1 =	srdreg.scid  }
0x2: {  	s5 =	rddreg [dreg:$0x1];
	s0 =	stileid.u32;
	s18 =	sand.u32 $0x1, s1  }
0x3: {  	s16 =	rddreg [dreg:$0x2];
	s4 =	sshll.u32 s0, $0xA;
	s6 =	sshll.u32 s18, $0x9  }
0x4: {  	s2 =	simm.s32 $0x0;
	s1 =	rddreg [dreg:$0x3];
	s17 =	sor.u32 s6, s4  }
0x5: {  	[smem:$0x7FF] =	sst s2;
	s6 =	sshrl.u32 s17, $0x3  }
0x6: {  	_ =	strace $0x80000047;
	s4 =	sadd.s32 s3, s6;
	s3 =	simm.s32 $0x2  }
0x7: {  	[tilespmem:s2], [sflag:$0x2] =	stream.linear.gather [hbm4b:s4+s2], $0x200, $0x38;
	[tilespmem:$0x10400] =	vst v63  }
0x8: {  	_ =	swait.ge [sflag:s3], $0x200  }
0x9: {  	[sflag:s3] =	ssyncset.done $0x0  }
0xa: {  	s5 =	sadd.s32 s5, s6;
	s6 =	simm.s32 $0x200;
	[sflag:s3] =	ssyncadd.s32 $0xFFFFFE00  }
0xb: {  	[tilespmem:s6], [sflag:$0x2] =	stream.linear.gather [hbm4b:s5+s2], $0x200, $0x38;
	[tilespmem:$0x10400] =	vst v63  }
0xc: {  	_ =	swait.ge [sflag:s3], $0x200  }
0xd: {  	[sflag:s3] =	ssyncset.done $0x0  }
0xe: {  	s8 =	simm.s32 $0x400;
	s7 =	sadd.s32 $0x1315C00, s16;
	[sflag:s3] =	ssyncadd.s32 $0xFFFFFE00  }
0xf: {  	[tilespmem:s8], [sflag:$0x1] =	stream.indirect.gather [hbm4b:s7+s6], $0x20, s2, s6, $0xb8;
	[tilespmem:$0x10400] =	vst v63  }
0x10: {  	s10 =	simm.s32 $0x4400;
	s9 =	sadd.s32 $0x1EB400, s16  }
0x11: {  	[tilespmem:s10], [sflag:$0x1] =	stream.indirect.gather [hbm4b:s9+s6], $0x20, s6, s6, $0xb8;
	[tilespmem:$0x10400] =	vst v63  }
0x12: {  	s12 =	simm.s32 $0x8400;
	s11 =	sadd.s32 $0xF45200, s16  }
0x13: {  	[tilespmem:s12], [sflag:$0x1] =	stream.indirect.gather [hbm4b:s11+s6], $0x20, s2, s6, $0xb8;
	[tilespmem:$0x10400] =	vst v63  }
0x14: {  	s14 =	simm.s32 $0xC400;
	s15 =	simm.s32 $0x1;
	s13 =	sadd.s32 $0x189800, s16  }
0x15: {  	[tilespmem:s14], [sflag:$0x1] =	stream.indirect.gather [hbm4b:s13+s6], $0x20, s6, s6, $0xb8;
	[tilespmem:$0x10400] =	vst v63  }
0x16: {  	_ =	swait.ge [sflag:s15], $0x4000  }
0x17: {  	[sflag:s15] =	ssyncset.done $0x0  }
0x18: {  	[sflag:s15] =	ssyncadd.s32 $0xFFFFC000  }
0x19: {  	_ =	swait.ge [sflag:s15], $0x4000  }
0x1a: {  	[sflag:s15] =	ssyncset.done $0x0  }
0x1b: {  	[sflag:s15] =	ssyncadd.s32 $0xFFFFC000  }
0x1c: {  	_ =	swait.ge [sflag:s15], $0x4000  }
0x1d: {  	[sflag:s15] =	ssyncset.done $0x0  }
0x1e: {  	[sflag:s15] =	ssyncadd.s32 $0xFFFFC000  }
0x1f: {  	s17 =	sshll.u32 s17, $0x2;
	_ =	swait.ge [sflag:s15], $0x4000  }
0x20: {  	s19 =	sadd.s32 s17, s16;
	[sflag:s15] =	ssyncset.done $0x0  }
0x21: {  	s16 =	sadd.s32 $0x32C00, s19;
	[sflag:s15] =	ssyncadd.s32 $0xFFFFC000  }
0x22: {  	[hbm4b:s16+s2] =	stream.linear.scatter [tilespmem:s8], [sflag:$0x2], $0x4000, $0x38;
	[tilespmem:$0x10400] =	vst v63  }
0x23: {  	_ =	swait.ge [sflag:s3], $0x4000  }
0x24: {  	[sflag:s3] =	ssyncset.done $0x0  }
0x25: {  	s20 =	ssub.s32 $0x2, s18;
	s17 =	sadd.s32 $0x22C00, s19;
	[sflag:s3] =	ssyncadd.s32 $0xFFFFC000  }
0x26: {  	[hbm4b:s17+s2] =	stream.linear.scatter [tilespmem:s10], [sflag:$0x2], $0x4000, $0x38;
	[tilespmem:$0x10400] =	vst v63  }
0x27: {  	s21 =	sshrl.u32 s20, $0x1;
	_ =	swait.ge [sflag:s3], $0x4000  }
0x28: {  	s20 =	ssub.s32 s20, s21;
	[sflag:s3] =	ssyncset.done $0x0  }
0x29: {  	s20 =	smax.u32 s20, $0x1;
	s18 =	sadd.s32 $0x12C00, s19;
	[sflag:s3] =	ssyncadd.s32 $0xFFFFC000  }
0x2a: {  	[hbm4b:s18+s2] =	stream.linear.scatter [tilespmem:s12], [sflag:$0x2], $0x4000, $0x38;
	[tilespmem:$0x10400] =	vst v63  }
0x2b: {  	p0 =	sne.s32 s20, $0x1;
	_ =	swait.ge [sflag:s3], $0x4000  }
.Ltmp0:
0x2c: {  	[sflag:s3] =	ssyncset.done $0x0;
	(pc) =	sbr.rel @!p0 .LBB2_2-.Ltmp0, $4  }
0x2d: {  	s19 =	sadd.s32 $0x2C00, s19;
	[sflag:s3] =	ssyncadd.s32 $0xFFFFC000  }
0x2e: {  	[hbm4b:s19+s2] =	stream.linear.scatter [tilespmem:s14], [sflag:$0x2], $0x4000, $0x38;
	[tilespmem:$0x10400] =	vst v63  }
0x2f: {  	_ =	swait.ge [sflag:s3], $0x4000  }
0x30: {  	s20 =	sadd.s32 $0xFFFFFFFF, s20;
	[sflag:s3] =	ssyncset.done $0x0  }
.LBB2_1:
0x31: {  	p0 =	sne.s32 s20, $0x1;
	s20 =	sadd.s32 $0xFFFFFFFF, s20;
	[sflag:s3] =	ssyncadd.s32 $0xFFFFC000  }
0x32: {  	[tilespmem:s2], [sflag:$0x2] =	stream.linear.gather [hbm4b:s4+s2], $0x200, $0x38;
	[tilespmem:$0x10400] =	vst v63  }
0x33: {  	_ =	swait.ge [sflag:s3], $0x200  }
0x34: {  	[sflag:s3] =	ssyncset.done $0x0  }
0x35: {  	[sflag:s3] =	ssyncadd.s32 $0xFFFFFE00  }
0x36: {  	[tilespmem:s6], [sflag:$0x2] =	stream.linear.gather [hbm4b:s5+s2], $0x200, $0x38;
	[tilespmem:$0x10400] =	vst v63  }
0x37: {  	_ =	swait.ge [sflag:s3], $0x200  }
0x38: {  	[sflag:s3] =	ssyncset.done $0x0  }
0x39: {  	[sflag:s3] =	ssyncadd.s32 $0xFFFFFE00  }
0x3a: {  	[tilespmem:s8], [sflag:$0x1] =	stream.indirect.gather [hbm4b:s7+s6], $0x20, s2, s6, $0xb8;
	[tilespmem:$0x10400] =	vst v63  }
0x3b: {  	_ = 	snop  }
0x3c: {  	[tilespmem:s10], [sflag:$0x1] =	stream.indirect.gather [hbm4b:s9+s6], $0x20, s6, s6, $0xb8;
	[tilespmem:$0x10400] =	vst v63  }
0x3d: {  	_ = 	snop  }
0x3e: {  	[tilespmem:s12], [sflag:$0x1] =	stream.indirect.gather [hbm4b:s11+s6], $0x20, s2, s6, $0xb8;
	[tilespmem:$0x10400] =	vst v63  }
0x3f: {  	_ = 	snop  }
0x40: {  	[tilespmem:s14], [sflag:$0x1] =	stream.indirect.gather [hbm4b:s13+s6], $0x20, s6, s6, $0xb8;
	[tilespmem:$0x10400] =	vst v63  }
0x41: {  	_ =	swait.ge [sflag:s15], $0x4000  }
0x42: {  	[sflag:s15] =	ssyncset.done $0x0  }
0x43: {  	[sflag:s15] =	ssyncadd.s32 $0xFFFFC000  }
0x44: {  	_ =	swait.ge [sflag:s15], $0x4000  }
0x45: {  	[sflag:s15] =	ssyncset.done $0x0  }
0x46: {  	[sflag:s15] =	ssyncadd.s32 $0xFFFFC000  }
0x47: {  	_ =	swait.ge [sflag:s15], $0x4000  }
0x48: {  	[sflag:s15] =	ssyncset.done $0x0  }
0x49: {  	[sflag:s15] =	ssyncadd.s32 $0xFFFFC000  }
0x4a: {  	_ =	swait.ge [sflag:s15], $0x4000  }
0x4b: {  	[sflag:s15] =	ssyncset.done $0x0  }
0x4c: {  	[sflag:s15] =	ssyncadd.s32 $0xFFFFC000  }
0x4d: {  	[hbm4b:s16+s2] =	stream.linear.scatter [tilespmem:s8], [sflag:$0x2], $0x4000, $0x38;
	[tilespmem:$0x10400] =	vst v63  }
0x4e: {  	_ =	swait.ge [sflag:s3], $0x4000  }
0x4f: {  	[sflag:s3] =	ssyncset.done $0x0  }
0x50: {  	[sflag:s3] =	ssyncadd.s32 $0xFFFFC000  }
0x51: {  	[hbm4b:s17+s2] =	stream.linear.scatter [tilespmem:s10], [sflag:$0x2], $0x4000, $0x38;
	[tilespmem:$0x10400] =	vst v63  }
0x52: {  	_ =	swait.ge [sflag:s3], $0x4000  }
0x53: {  	[sflag:s3] =	ssyncset.done $0x0  }
0x54: {  	[sflag:s3] =	ssyncadd.s32 $0xFFFFC000  }
0x55: {  	[hbm4b:s18+s2] =	stream.linear.scatter [tilespmem:s12], [sflag:$0x2], $0x4000, $0x38;
	[tilespmem:$0x10400] =	vst v63  }
0x56: {  	_ =	swait.ge [sflag:s3], $0x4000  }
.Ltmp1:
0x57: {  	[sflag:s3] =	ssyncset.done $0x0;
	(pc) =	sbr.rel @p0 .LBB2_1-.Ltmp1, $4  }
0x58: {  	[sflag:s3] =	ssyncadd.s32 $0xFFFFC000  }
0x59: {  	[hbm4b:s19+s2] =	stream.linear.scatter [tilespmem:s14], [sflag:$0x2], $0x4000, $0x38;
	[tilespmem:$0x10400] =	vst v63  }
0x5a: {  	_ =	swait.ge [sflag:s3], $0x4000  }
0x5b: {  	[sflag:s3] =	ssyncset.done $0x0  }
.LBB2_2:
0x5c: {  	[sflag:s3] =	ssyncadd.s32 $0xFFFFC000  }
0x5d: {  	_ =	sfence.sel $0x180000  }
0x5e: {  	[bflag:$0x0] =	sbarrier.arrive $0xFFFF  }
0x5f: {  	p0 =	sne.s32 s0, $0x0;
	_ =	strace $0x90000047  }
0x60: {  	s0 =	sadd.s32 @!p0 $0x100000, s1;
	[bflag:$0x2] =	sbarrier.arrive $0xFFFF  }
0x61: {  	[sflag:s0] =	ssyncadd.tile.s32 @!p0 $0x1;
	_ =	shalt  }
.Lfunc_end2:
_tile_overlayer_lowered:
.L_overlay_start_2:
0x62: {  	(tag) =	ssettag $0x2  }
0x63: {  	s0 =	rddreg [dreg:$0x0];
	s2 =	stileid.u32  }
0x64: {  	s1 =	rddreg [dreg:$0x1];
	p0 =	sne.s32 s2, $0x0  }
0x65: {  	s3 =	rddreg [dreg:$0x2];
	[bflag:$0x3] =	sbarrier.arrive $0xFFFF;
	s2 =	simm.s32 @!p0 $0x1C02  }
0x66: {  	[timem:s3], [sflag:s2] =	dma.local @!p0 [hbm:s0], s1  }
0x67: {  	s0 =	simm.s32 @!p0 $0x2  }
0x68: {  	_ =	swait.ge @!p0 [sflag:s0], s1  }
0x69: {  	s1 =	ssub.s32 @!p0 $0x0, s1;
	[sflag:s0] =	ssyncset.done @!p0 $0x0  }
0x6a: {  	[sflag:s0] =	ssyncadd.s32 @!p0 s1  }
0x6b: {  	[bflag:$0x3] =	sbarrier.arrive $0xFFFF  }
0x6c: {  	_ =	shalt  }

</sc_bundles>
